<compile_context>
chip_gen: v7x
topology: tpu7x:2x2x1
jax: 0.10.2.dev20260603
libtpu: 0.0.44.dev20260713+nightly
codegen_flags: <defaults>
</compile_context>

<pallas_src>
import functools

import jax
import jax.numpy as jnp
from jax import lax
from jax.experimental import pallas as pl
from jax.experimental.pallas import tpu as pltpu
from jax.experimental.pallas import tpu_sc as plsc

_IDX_CHUNK = 128


def kernel(labels, table):
    B, = labels.shape
    V, D = table.shape
    info = plsc.get_sparse_core_info()
    NC, NS = info.num_cores, info.num_subcores
    NW = NC * NS
    b_per_w = B // NW
    n_chunks = b_per_w // _IDX_CHUNK

    mesh = plsc.VectorSubcoreMesh(core_axis_name="c", subcore_axis_name="s")

    @functools.partial(
        pl.kernel,
        mesh=mesh,
        out_type=jax.ShapeDtypeStruct((B, D), jnp.float32),
        compiler_params=pltpu.CompilerParams(needs_layout_passes=False),
        scratch_types=[
            pltpu.VMEM_SHARED((V, D), jnp.float32),
            pltpu.VMEM((n_chunks, _IDX_CHUNK), jnp.int32),
            pltpu.VMEM((b_per_w, D), jnp.float32),
            pltpu.SemaphoreType.DMA,
            pltpu.SemaphoreType.DMA,
        ],
    )
    def _emb(labels_hbm, table_hbm, out_hbm, table_s, idx_v, rows_v, gsem, osem):
        sid = lax.axis_index("s")
        wid = sid * NC + lax.axis_index("c")
        base = wid * b_per_w

        @pl.when(sid == 0)
        def _stage():
            pltpu.sync_copy(table_hbm, table_s)

        pltpu.sync_copy(labels_hbm.at[wid], idx_v)
        plsc.subcore_barrier()

        gathers = [
            pltpu.async_copy(
                table_s.at[idx_v.at[c]],
                rows_v.at[pl.ds(c * _IDX_CHUNK, _IDX_CHUNK)],
                gsem,
            )
            for c in range(n_chunks)
        ]
        writes = []
        for c in range(n_chunks):
            gathers[c].wait()
            writes.append(
                pltpu.async_copy(
                    rows_v.at[pl.ds(c * _IDX_CHUNK, _IDX_CHUNK)],
                    out_hbm.at[pl.ds(base + c * _IDX_CHUNK, _IDX_CHUNK)],
                    osem,
                )
            )
        for w in writes:
            w.wait()

    labels_r = labels.reshape(NW, n_chunks, _IDX_CHUNK).astype(jnp.int32)
    return _emb(labels_r, table)

# --- scband reference (transcript-rebuilt; emitter-appended) ---
"""Pipeline reference for scband-genre-910533066860 (READ-ONLY COPY).

The authoritative reference and input builder live on the scoring server;
editing this copy changes nothing except your own understanding.
"""

import jax, jax.numpy as jnp
import numpy as np

NUM_GENRES = 7
VOCAB = NUM_GENRES + 1  # + padding idx 0
GENRE_DIM = 128
BATCH = 16384


def setup_inputs(seed: int = 0) -> dict:
    key = jax.random.key(seed)
    k1, k2 = jax.random.split(key)
    labels = jax.random.randint(k1, (BATCH,), 0, VOCAB, dtype=jnp.int64 if jax.config.jax_enable_x64 else jnp.int32)
    table = jax.random.normal(k2, (VOCAB, GENRE_DIM), dtype=jnp.float32)
    # padding_idx=0 row is zero in nn.Embedding
    table = table.at[0].set(0.0)
    return {"labels": labels, "table": table}


def reference(labels, table):
    # stoi already applied: labels are integer ids in [0, VOCAB).
    # nn.Embedding(padding_idx=0) lookup; Dropout is identity in eval mode.
    out = jnp.take(table, labels, axis=0)
    return out

if __name__ == "__main__":
    import jax
    _d = setup_inputs()
    print(jax.jit(kernel)(*tuple(_d.values())))

</pallas_src>

<mosaic_0001>
#map = affine_map<(d0, d1) -> (0, 0, 0)>
#map1 = affine_map<(d0, d1) -> (0, 0)>
module attributes {stable_mosaic.version = 14 : i64} {
  func.func @_emb(%arg0: i32, %arg1: i32, %arg2: memref<32x4x128xi32, #tpu.memory_space<hbm>>, %arg3: memref<8x128xf32, #tpu.memory_space<hbm>>, %arg4: memref<16384x128xf32, #tpu.memory_space<hbm>>, %arg5: memref<8x128xf32, #tpu.memory_space<vmem_shared>>, %arg6: memref<4x128xi32, #tpu.memory_space<vmem>>, %arg7: memref<512x128xf32, #tpu.memory_space<vmem>>, %arg8: memref<!tpu.dma_semaphore, #tpu.memory_space<semaphore_mem>>, %arg9: memref<!tpu.dma_semaphore, #tpu.memory_space<semaphore_mem>>) attributes {dimension_semantics = [#tpu.dimension_semantics<core_parallel>, #tpu.dimension_semantics<subcore_parallel>], iteration_bounds = array<i64: 2, 16>, scalar_prefetch = 0 : i64, scratch_operands = 5 : i64, tpu.core_type = #tpu.core_type<sc_vector_subcore>, window_params = [{transform_indices = #map}, {transform_indices = #map1}, {transform_indices = #map1}]} {
    %mul3A = arith.constant 2 : i32
    %mul3A_0 = arith.muli %arg1, %mul3A : i32
    %add3A = arith.addi %mul3A_0, %arg0 : i32
    %mul3A_1 = arith.constant 512 : i32
    %mul3A_2 = arith.muli %add3A, %mul3A_1 : i32
    %eq3A = arith.constant 0 : i32
    %eq3A_3 = arith.cmpi eq, %arg1, %eq3A : i32
    %convert_element_type3A = arith.extui %eq3A_3 : i1 to i32
    %cond3A = arith.constant 0 : i32
    %cond3A_4 = arith.cmpi ne, %convert_element_type3A, %cond3A : i32
    scf.if %cond3A_4 {
      "tpu.region"() ({
        %run_scoped3A = tpu.sem_alloc : memref<!tpu.dma_semaphore, #tpu.memory_space<semaphore_mem>>
        tpu.enqueue_dma source(%arg3 : memref<8x128xf32, #tpu.memory_space<hbm>>) target(%arg5 : memref<8x128xf32, #tpu.memory_space<vmem_shared>>) target_semaphore(%run_scoped3A : memref<!tpu.dma_semaphore, #tpu.memory_space<semaphore_mem>>)
        tpu.wait_dma2 semaphore(%run_scoped3A : memref<!tpu.dma_semaphore, #tpu.memory_space<semaphore_mem>>) src(%arg3 : memref<8x128xf32, #tpu.memory_space<hbm>>) dst(%arg5 : memref<8x128xf32, #tpu.memory_space<vmem_shared>>)
        tpu.yield
      }) : () -> ()
    } else {
    }
    "tpu.region"() ({
      %run_scoped3A = tpu.sem_alloc : memref<!tpu.dma_semaphore, #tpu.memory_space<semaphore_mem>>
      %dma_start3A_171 = arith.constant 0 : i32
      %dma_start3A_172 = arith.constant 0 : i32
      %dma_start3A_173 = tpu.memref_slice %arg2[%add3A, %dma_start3A_171, %dma_start3A_172] : memref<32x4x128xi32, #tpu.memory_space<hbm>> -> memref<1x4x128xi32, #tpu.memory_space<hbm>>
      %dma_start3A_174 = tpu.memref_squeeze %dma_start3A_173 : memref<1x4x128xi32, #tpu.memory_space<hbm>> -> memref<4x128xi32, #tpu.memory_space<hbm>>
      %dma_start3A_175 = arith.constant 0 : i32
      %dma_start3A_176 = arith.constant 0 : i32
      %dma_start3A_177 = tpu.memref_slice %arg2[%add3A, %dma_start3A_175, %dma_start3A_176] : memref<32x4x128xi32, #tpu.memory_space<hbm>> -> memref<1x4x128xi32, #tpu.memory_space<hbm>>
      %dma_start3A_178 = tpu.memref_squeeze %dma_start3A_177 : memref<1x4x128xi32, #tpu.memory_space<hbm>> -> memref<4x128xi32, #tpu.memory_space<hbm>>
      tpu.enqueue_dma source(%dma_start3A_178 : memref<4x128xi32, #tpu.memory_space<hbm>>) target(%arg6 : memref<4x128xi32, #tpu.memory_space<vmem>>) target_semaphore(%run_scoped3A : memref<!tpu.dma_semaphore, #tpu.memory_space<semaphore_mem>>)
      %dma_wait3A_179 = arith.constant 0 : i32
      %dma_wait3A_180 = arith.constant 0 : i32
      %dma_wait3A_181 = tpu.memref_slice %arg2[%add3A, %dma_wait3A_179, %dma_wait3A_180] : memref<32x4x128xi32, #tpu.memory_space<hbm>> -> memref<1x4x128xi32, #tpu.memory_space<hbm>>
      %dma_wait3A_182 = tpu.memref_squeeze %dma_wait3A_181 : memref<1x4x128xi32, #tpu.memory_space<hbm>> -> memref<4x128xi32, #tpu.memory_space<hbm>>
      %dma_wait3A_183 = arith.constant 0 : i32
      %dma_wait3A_184 = arith.constant 0 : i32
      %dma_wait3A_185 = tpu.memref_slice %arg2[%add3A, %dma_wait3A_183, %dma_wait3A_184] : memref<32x4x128xi32, #tpu.memory_space<hbm>> -> memref<1x4x128xi32, #tpu.memory_space<hbm>>
      %dma_wait3A_186 = tpu.memref_squeeze %dma_wait3A_185 : memref<1x4x128xi32, #tpu.memory_space<hbm>> -> memref<4x128xi32, #tpu.memory_space<hbm>>
      tpu.wait_dma2 semaphore(%run_scoped3A : memref<!tpu.dma_semaphore, #tpu.memory_space<semaphore_mem>>) src(%dma_wait3A_186 : memref<4x128xi32, #tpu.memory_space<hbm>>) dst(%arg6 : memref<4x128xi32, #tpu.memory_space<vmem>>)
      tpu.yield
    }) : () -> ()
    %barrier3A = arith.constant 0 : index
    tpu.barrier barrier_id(%barrier3A)
    %dma_start3A = arith.constant 0 : i32
    %dma_start3A_5 = arith.constant 0 : i32
    %dma_start3A_6 = arith.constant 0 : i32
    %dma_start3A_7 = tpu.memref_slice %arg7[%dma_start3A_5, %dma_start3A_6] : memref<512x128xf32, #tpu.memory_space<vmem>> -> memref<128x128xf32, #tpu.memory_space<vmem>>
    %dma_start3A_8 = arith.constant 0 : i32
    %dma_start3A_9 = tpu.memref_slice %arg6[%dma_start3A, %dma_start3A_8] : memref<4x128xi32, #tpu.memory_space<vmem>> -> memref<1x128xi32, #tpu.memory_space<vmem>>
    %dma_start3A_10 = tpu.memref_squeeze %dma_start3A_9 : memref<1x128xi32, #tpu.memory_space<vmem>> -> memref<128xi32, #tpu.memory_space<vmem>>
    %dma_start3A_11 = arith.constant 0 : i32
    %dma_start3A_12 = arith.constant 0 : i32
    %dma_start3A_13 = tpu.memref_slice %arg5[%dma_start3A_11, %dma_start3A_12] : memref<8x128xf32, #tpu.memory_space<vmem_shared>> -> memref<8x128xf32, #tpu.memory_space<vmem_shared>>
    tpu.enqueue_indirect_dma source(%dma_start3A_13 : memref<8x128xf32, #tpu.memory_space<vmem_shared>>) target(%dma_start3A_7 : memref<128x128xf32, #tpu.memory_space<vmem>>) offsets(%dma_start3A_10 : memref<128xi32, #tpu.memory_space<vmem>>) semaphore(%arg8 : memref<!tpu.dma_semaphore, #tpu.memory_space<semaphore_mem>>)
    %dma_start3A_14 = arith.constant 1 : i32
    %dma_start3A_15 = arith.constant 128 : i32
    %dma_start3A_16 = arith.constant 0 : i32
    %dma_start3A_17 = tpu.memref_slice %arg7[%dma_start3A_15, %dma_start3A_16] : memref<512x128xf32, #tpu.memory_space<vmem>> -> memref<128x128xf32, #tpu.memory_space<vmem>>
    %dma_start3A_18 = arith.constant 0 : i32
    %dma_start3A_19 = tpu.memref_slice %arg6[%dma_start3A_14, %dma_start3A_18] : memref<4x128xi32, #tpu.memory_space<vmem>> -> memref<1x128xi32, #tpu.memory_space<vmem>>
    %dma_start3A_20 = tpu.memref_squeeze %dma_start3A_19 : memref<1x128xi32, #tpu.memory_space<vmem>> -> memref<128xi32, #tpu.memory_space<vmem>>
    %dma_start3A_21 = arith.constant 0 : i32
    %dma_start3A_22 = arith.constant 0 : i32
    %dma_start3A_23 = tpu.memref_slice %arg5[%dma_start3A_21, %dma_start3A_22] : memref<8x128xf32, #tpu.memory_space<vmem_shared>> -> memref<8x128xf32, #tpu.memory_space<vmem_shared>>
    tpu.enqueue_indirect_dma source(%dma_start3A_23 : memref<8x128xf32, #tpu.memory_space<vmem_shared>>) target(%dma_start3A_17 : memref<128x128xf32, #tpu.memory_space<vmem>>) offsets(%dma_start3A_20 : memref<128xi32, #tpu.memory_space<vmem>>) semaphore(%arg8 : memref<!tpu.dma_semaphore, #tpu.memory_space<semaphore_mem>>)
    %dma_start3A_24 = arith.constant 2 : i32
    %dma_start3A_25 = arith.constant 256 : i32
    %dma_start3A_26 = arith.constant 0 : i32
    %dma_start3A_27 = tpu.memref_slice %arg7[%dma_start3A_25, %dma_start3A_26] : memref<512x128xf32, #tpu.memory_space<vmem>> -> memref<128x128xf32, #tpu.memory_space<vmem>>
    %dma_start3A_28 = arith.constant 0 : i32
    %dma_start3A_29 = tpu.memref_slice %arg6[%dma_start3A_24, %dma_start3A_28] : memref<4x128xi32, #tpu.memory_space<vmem>> -> memref<1x128xi32, #tpu.memory_space<vmem>>
    %dma_start3A_30 = tpu.memref_squeeze %dma_start3A_29 : memref<1x128xi32, #tpu.memory_space<vmem>> -> memref<128xi32, #tpu.memory_space<vmem>>
    %dma_start3A_31 = arith.constant 0 : i32
    %dma_start3A_32 = arith.constant 0 : i32
    %dma_start3A_33 = tpu.memref_slice %arg5[%dma_start3A_31, %dma_start3A_32] : memref<8x128xf32, #tpu.memory_space<vmem_shared>> -> memref<8x128xf32, #tpu.memory_space<vmem_shared>>
    tpu.enqueue_indirect_dma source(%dma_start3A_33 : memref<8x128xf32, #tpu.memory_space<vmem_shared>>) target(%dma_start3A_27 : memref<128x128xf32, #tpu.memory_space<vmem>>) offsets(%dma_start3A_30 : memref<128xi32, #tpu.memory_space<vmem>>) semaphore(%arg8 : memref<!tpu.dma_semaphore, #tpu.memory_space<semaphore_mem>>)
    %dma_start3A_34 = arith.constant 3 : i32
    %dma_start3A_35 = arith.constant 384 : i32
    %dma_start3A_36 = arith.constant 0 : i32
    %dma_start3A_37 = tpu.memref_slice %arg7[%dma_start3A_35, %dma_start3A_36] : memref<512x128xf32, #tpu.memory_space<vmem>> -> memref<128x128xf32, #tpu.memory_space<vmem>>
    %dma_start3A_38 = arith.constant 0 : i32
    %dma_start3A_39 = tpu.memref_slice %arg6[%dma_start3A_34, %dma_start3A_38] : memref<4x128xi32, #tpu.memory_space<vmem>> -> memref<1x128xi32, #tpu.memory_space<vmem>>
    %dma_start3A_40 = tpu.memref_squeeze %dma_start3A_39 : memref<1x128xi32, #tpu.memory_space<vmem>> -> memref<128xi32, #tpu.memory_space<vmem>>
    %dma_start3A_41 = arith.constant 0 : i32
    %dma_start3A_42 = arith.constant 0 : i32
    %dma_start3A_43 = tpu.memref_slice %arg5[%dma_start3A_41, %dma_start3A_42] : memref<8x128xf32, #tpu.memory_space<vmem_shared>> -> memref<8x128xf32, #tpu.memory_space<vmem_shared>>
    tpu.enqueue_indirect_dma source(%dma_start3A_43 : memref<8x128xf32, #tpu.memory_space<vmem_shared>>) target(%dma_start3A_37 : memref<128x128xf32, #tpu.memory_space<vmem>>) offsets(%dma_start3A_40 : memref<128xi32, #tpu.memory_space<vmem>>) semaphore(%arg8 : memref<!tpu.dma_semaphore, #tpu.memory_space<semaphore_mem>>)
    %dma_wait3A = arith.constant 0 : i32
    %dma_wait3A_44 = arith.constant 0 : i32
    %dma_wait3A_45 = arith.constant 0 : i32
    %dma_wait3A_46 = tpu.memref_slice %arg7[%dma_wait3A_44, %dma_wait3A_45] : memref<512x128xf32, #tpu.memory_space<vmem>> -> memref<128x128xf32, #tpu.memory_space<vmem>>
    %dma_wait3A_47 = arith.constant 0 : i32
    %dma_wait3A_48 = tpu.memref_slice %arg6[%dma_wait3A, %dma_wait3A_47] : memref<4x128xi32, #tpu.memory_space<vmem>> -> memref<1x128xi32, #tpu.memory_space<vmem>>
    %dma_wait3A_49 = tpu.memref_squeeze %dma_wait3A_48 : memref<1x128xi32, #tpu.memory_space<vmem>> -> memref<128xi32, #tpu.memory_space<vmem>>
    %dma_wait3A_50 = arith.constant 0 : i32
    %dma_wait3A_51 = arith.constant 0 : i32
    %dma_wait3A_52 = tpu.memref_slice %arg5[%dma_wait3A_50, %dma_wait3A_51] : memref<8x128xf32, #tpu.memory_space<vmem_shared>> -> memref<8x128xf32, #tpu.memory_space<vmem_shared>>
    tpu.wait_indirect_dma semaphore(%arg8 : memref<!tpu.dma_semaphore, #tpu.memory_space<semaphore_mem>>) src(%dma_wait3A_52 : memref<8x128xf32, #tpu.memory_space<vmem_shared>>) dst(%dma_wait3A_46 : memref<128x128xf32, #tpu.memory_space<vmem>>)
    %add3A_53 = arith.constant 0 : i32
    %add3A_54 = arith.addi %mul3A_2, %add3A_53 : i32
    %dma_start3A_55 = arith.constant 0 : i32
    %dma_start3A_56 = arith.constant 0 : i32
    %dma_start3A_57 = tpu.memref_slice %arg7[%dma_start3A_55, %dma_start3A_56] : memref<512x128xf32, #tpu.memory_space<vmem>> -> memref<128x128xf32, #tpu.memory_space<vmem>>
    %dma_start3A_58 = arith.constant 0 : i32
    %dma_start3A_59 = tpu.memref_slice %arg4[%add3A_54, %dma_start3A_58] : memref<16384x128xf32, #tpu.memory_space<hbm>> -> memref<128x128xf32, #tpu.memory_space<hbm>>
    %dma_start3A_60 = arith.constant 0 : i32
    %dma_start3A_61 = tpu.memref_slice %arg4[%add3A_54, %dma_start3A_60] : memref<16384x128xf32, #tpu.memory_space<hbm>> -> memref<128x128xf32, #tpu.memory_space<hbm>>
    %dma_start3A_62 = arith.constant 0 : i32
    %dma_start3A_63 = arith.constant 0 : i32
    %dma_start3A_64 = tpu.memref_slice %arg7[%dma_start3A_62, %dma_start3A_63] : memref<512x128xf32, #tpu.memory_space<vmem>> -> memref<128x128xf32, #tpu.memory_space<vmem>>
    tpu.enqueue_dma source(%dma_start3A_64 : memref<128x128xf32, #tpu.memory_space<vmem>>) target(%dma_start3A_61 : memref<128x128xf32, #tpu.memory_space<hbm>>) target_semaphore(%arg9 : memref<!tpu.dma_semaphore, #tpu.memory_space<semaphore_mem>>)
    %dma_wait3A_65 = arith.constant 1 : i32
    %dma_wait3A_66 = arith.constant 128 : i32
    %dma_wait3A_67 = arith.constant 0 : i32
    %dma_wait3A_68 = tpu.memref_slice %arg7[%dma_wait3A_66, %dma_wait3A_67] : memref<512x128xf32, #tpu.memory_space<vmem>> -> memref<128x128xf32, #tpu.memory_space<vmem>>
    %dma_wait3A_69 = arith.constant 0 : i32
    %dma_wait3A_70 = tpu.memref_slice %arg6[%dma_wait3A_65, %dma_wait3A_69] : memref<4x128xi32, #tpu.memory_space<vmem>> -> memref<1x128xi32, #tpu.memory_space<vmem>>
    %dma_wait3A_71 = tpu.memref_squeeze %dma_wait3A_70 : memref<1x128xi32, #tpu.memory_space<vmem>> -> memref<128xi32, #tpu.memory_space<vmem>>
    %dma_wait3A_72 = arith.constant 0 : i32
    %dma_wait3A_73 = arith.constant 0 : i32
    %dma_wait3A_74 = tpu.memref_slice %arg5[%dma_wait3A_72, %dma_wait3A_73] : memref<8x128xf32, #tpu.memory_space<vmem_shared>> -> memref<8x128xf32, #tpu.memory_space<vmem_shared>>
    tpu.wait_indirect_dma semaphore(%arg8 : memref<!tpu.dma_semaphore, #tpu.memory_space<semaphore_mem>>) src(%dma_wait3A_74 : memref<8x128xf32, #tpu.memory_space<vmem_shared>>) dst(%dma_wait3A_68 : memref<128x128xf32, #tpu.memory_space<vmem>>)
    %add3A_75 = arith.constant 128 : i32
    %add3A_76 = arith.addi %mul3A_2, %add3A_75 : i32
    %dma_start3A_77 = arith.constant 128 : i32
    %dma_start3A_78 = arith.constant 0 : i32
    %dma_start3A_79 = tpu.memref_slice %arg7[%dma_start3A_77, %dma_start3A_78] : memref<512x128xf32, #tpu.memory_space<vmem>> -> memref<128x128xf32, #tpu.memory_space<vmem>>
    %dma_start3A_80 = arith.constant 0 : i32
    %dma_start3A_81 = tpu.memref_slice %arg4[%add3A_76, %dma_start3A_80] : memref<16384x128xf32, #tpu.memory_space<hbm>> -> memref<128x128xf32, #tpu.memory_space<hbm>>
    %dma_start3A_82 = arith.constant 0 : i32
    %dma_start3A_83 = tpu.memref_slice %arg4[%add3A_76, %dma_start3A_82] : memref<16384x128xf32, #tpu.memory_space<hbm>> -> memref<128x128xf32, #tpu.memory_space<hbm>>
    %dma_start3A_84 = arith.constant 128 : i32
    %dma_start3A_85 = arith.constant 0 : i32
    %dma_start3A_86 = tpu.memref_slice %arg7[%dma_start3A_84, %dma_start3A_85] : memref<512x128xf32, #tpu.memory_space<vmem>> -> memref<128x128xf32, #tpu.memory_space<vmem>>
    tpu.enqueue_dma source(%dma_start3A_86 : memref<128x128xf32, #tpu.memory_space<vmem>>) target(%dma_start3A_83 : memref<128x128xf32, #tpu.memory_space<hbm>>) target_semaphore(%arg9 : memref<!tpu.dma_semaphore, #tpu.memory_space<semaphore_mem>>)
    %dma_wait3A_87 = arith.constant 2 : i32
    %dma_wait3A_88 = arith.constant 256 : i32
    %dma_wait3A_89 = arith.constant 0 : i32
    %dma_wait3A_90 = tpu.memref_slice %arg7[%dma_wait3A_88, %dma_wait3A_89] : memref<512x128xf32, #tpu.memory_space<vmem>> -> memref<128x128xf32, #tpu.memory_space<vmem>>
    %dma_wait3A_91 = arith.constant 0 : i32
    %dma_wait3A_92 = tpu.memref_slice %arg6[%dma_wait3A_87, %dma_wait3A_91] : memref<4x128xi32, #tpu.memory_space<vmem>> -> memref<1x128xi32, #tpu.memory_space<vmem>>
    %dma_wait3A_93 = tpu.memref_squeeze %dma_wait3A_92 : memref<1x128xi32, #tpu.memory_space<vmem>> -> memref<128xi32, #tpu.memory_space<vmem>>
    %dma_wait3A_94 = arith.constant 0 : i32
    %dma_wait3A_95 = arith.constant 0 : i32
    %dma_wait3A_96 = tpu.memref_slice %arg5[%dma_wait3A_94, %dma_wait3A_95] : memref<8x128xf32, #tpu.memory_space<vmem_shared>> -> memref<8x128xf32, #tpu.memory_space<vmem_shared>>
    tpu.wait_indirect_dma semaphore(%arg8 : memref<!tpu.dma_semaphore, #tpu.memory_space<semaphore_mem>>) src(%dma_wait3A_96 : memref<8x128xf32, #tpu.memory_space<vmem_shared>>) dst(%dma_wait3A_90 : memref<128x128xf32, #tpu.memory_space<vmem>>)
    %add3A_97 = arith.constant 256 : i32
    %add3A_98 = arith.addi %mul3A_2, %add3A_97 : i32
    %dma_start3A_99 = arith.constant 256 : i32
    %dma_start3A_100 = arith.constant 0 : i32
    %dma_start3A_101 = tpu.memref_slice %arg7[%dma_start3A_99, %dma_start3A_100] : memref<512x128xf32, #tpu.memory_space<vmem>> -> memref<128x128xf32, #tpu.memory_space<vmem>>
    %dma_start3A_102 = arith.constant 0 : i32
    %dma_start3A_103 = tpu.memref_slice %arg4[%add3A_98, %dma_start3A_102] : memref<16384x128xf32, #tpu.memory_space<hbm>> -> memref<128x128xf32, #tpu.memory_space<hbm>>
    %dma_start3A_104 = arith.constant 0 : i32
    %dma_start3A_105 = tpu.memref_slice %arg4[%add3A_98, %dma_start3A_104] : memref<16384x128xf32, #tpu.memory_space<hbm>> -> memref<128x128xf32, #tpu.memory_space<hbm>>
    %dma_start3A_106 = arith.constant 256 : i32
    %dma_start3A_107 = arith.constant 0 : i32
    %dma_start3A_108 = tpu.memref_slice %arg7[%dma_start3A_106, %dma_start3A_107] : memref<512x128xf32, #tpu.memory_space<vmem>> -> memref<128x128xf32, #tpu.memory_space<vmem>>
    tpu.enqueue_dma source(%dma_start3A_108 : memref<128x128xf32, #tpu.memory_space<vmem>>) target(%dma_start3A_105 : memref<128x128xf32, #tpu.memory_space<hbm>>) target_semaphore(%arg9 : memref<!tpu.dma_semaphore, #tpu.memory_space<semaphore_mem>>)
    %dma_wait3A_109 = arith.constant 3 : i32
    %dma_wait3A_110 = arith.constant 384 : i32
    %dma_wait3A_111 = arith.constant 0 : i32
    %dma_wait3A_112 = tpu.memref_slice %arg7[%dma_wait3A_110, %dma_wait3A_111] : memref<512x128xf32, #tpu.memory_space<vmem>> -> memref<128x128xf32, #tpu.memory_space<vmem>>
    %dma_wait3A_113 = arith.constant 0 : i32
    %dma_wait3A_114 = tpu.memref_slice %arg6[%dma_wait3A_109, %dma_wait3A_113] : memref<4x128xi32, #tpu.memory_space<vmem>> -> memref<1x128xi32, #tpu.memory_space<vmem>>
    %dma_wait3A_115 = tpu.memref_squeeze %dma_wait3A_114 : memref<1x128xi32, #tpu.memory_space<vmem>> -> memref<128xi32, #tpu.memory_space<vmem>>
    %dma_wait3A_116 = arith.constant 0 : i32
    %dma_wait3A_117 = arith.constant 0 : i32
    %dma_wait3A_118 = tpu.memref_slice %arg5[%dma_wait3A_116, %dma_wait3A_117] : memref<8x128xf32, #tpu.memory_space<vmem_shared>> -> memref<8x128xf32, #tpu.memory_space<vmem_shared>>
    tpu.wait_indirect_dma semaphore(%arg8 : memref<!tpu.dma_semaphore, #tpu.memory_space<semaphore_mem>>) src(%dma_wait3A_118 : memref<8x128xf32, #tpu.memory_space<vmem_shared>>) dst(%dma_wait3A_112 : memref<128x128xf32, #tpu.memory_space<vmem>>)
    %add3A_119 = arith.constant 384 : i32
    %add3A_120 = arith.addi %mul3A_2, %add3A_119 : i32
    %dma_start3A_121 = arith.constant 384 : i32
    %dma_start3A_122 = arith.constant 0 : i32
    %dma_start3A_123 = tpu.memref_slice %arg7[%dma_start3A_121, %dma_start3A_122] : memref<512x128xf32, #tpu.memory_space<vmem>> -> memref<128x128xf32, #tpu.memory_space<vmem>>
    %dma_start3A_124 = arith.constant 0 : i32
    %dma_start3A_125 = tpu.memref_slice %arg4[%add3A_120, %dma_start3A_124] : memref<16384x128xf32, #tpu.memory_space<hbm>> -> memref<128x128xf32, #tpu.memory_space<hbm>>
    %dma_start3A_126 = arith.constant 0 : i32
    %dma_start3A_127 = tpu.memref_slice %arg4[%add3A_120, %dma_start3A_126] : memref<16384x128xf32, #tpu.memory_space<hbm>> -> memref<128x128xf32, #tpu.memory_space<hbm>>
    %dma_start3A_128 = arith.constant 384 : i32
    %dma_start3A_129 = arith.constant 0 : i32
    %dma_start3A_130 = tpu.memref_slice %arg7[%dma_start3A_128, %dma_start3A_129] : memref<512x128xf32, #tpu.memory_space<vmem>> -> memref<128x128xf32, #tpu.memory_space<vmem>>
    tpu.enqueue_dma source(%dma_start3A_130 : memref<128x128xf32, #tpu.memory_space<vmem>>) target(%dma_start3A_127 : memref<128x128xf32, #tpu.memory_space<hbm>>) target_semaphore(%arg9 : memref<!tpu.dma_semaphore, #tpu.memory_space<semaphore_mem>>)
    %dma_wait3A_131 = arith.constant 0 : i32
    %dma_wait3A_132 = arith.constant 0 : i32
    %dma_wait3A_133 = tpu.memref_slice %arg7[%dma_wait3A_131, %dma_wait3A_132] : memref<512x128xf32, #tpu.memory_space<vmem>> -> memref<128x128xf32, #tpu.memory_space<vmem>>
    %dma_wait3A_134 = arith.constant 0 : i32
    %dma_wait3A_135 = tpu.memref_slice %arg4[%add3A_54, %dma_wait3A_134] : memref<16384x128xf32, #tpu.memory_space<hbm>> -> memref<128x128xf32, #tpu.memory_space<hbm>>
    %dma_wait3A_136 = arith.constant 0 : i32
    %dma_wait3A_137 = tpu.memref_slice %arg4[%add3A_54, %dma_wait3A_136] : memref<16384x128xf32, #tpu.memory_space<hbm>> -> memref<128x128xf32, #tpu.memory_space<hbm>>
    %dma_wait3A_138 = arith.constant 0 : i32
    %dma_wait3A_139 = arith.constant 0 : i32
    %dma_wait3A_140 = tpu.memref_slice %arg7[%dma_wait3A_138, %dma_wait3A_139] : memref<512x128xf32, #tpu.memory_space<vmem>> -> memref<128x128xf32, #tpu.memory_space<vmem>>
    tpu.wait_dma2 semaphore(%arg9 : memref<!tpu.dma_semaphore, #tpu.memory_space<semaphore_mem>>) src(%dma_wait3A_140 : memref<128x128xf32, #tpu.memory_space<vmem>>) dst(%dma_wait3A_137 : memref<128x128xf32, #tpu.memory_space<hbm>>)
    %dma_wait3A_141 = arith.constant 128 : i32
    %dma_wait3A_142 = arith.constant 0 : i32
    %dma_wait3A_143 = tpu.memref_slice %arg7[%dma_wait3A_141, %dma_wait3A_142] : memref<512x128xf32, #tpu.memory_space<vmem>> -> memref<128x128xf32, #tpu.memory_space<vmem>>
    %dma_wait3A_144 = arith.constant 0 : i32
    %dma_wait3A_145 = tpu.memref_slice %arg4[%add3A_76, %dma_wait3A_144] : memref<16384x128xf32, #tpu.memory_space<hbm>> -> memref<128x128xf32, #tpu.memory_space<hbm>>
    %dma_wait3A_146 = arith.constant 0 : i32
    %dma_wait3A_147 = tpu.memref_slice %arg4[%add3A_76, %dma_wait3A_146] : memref<16384x128xf32, #tpu.memory_space<hbm>> -> memref<128x128xf32, #tpu.memory_space<hbm>>
    %dma_wait3A_148 = arith.constant 128 : i32
    %dma_wait3A_149 = arith.constant 0 : i32
    %dma_wait3A_150 = tpu.memref_slice %arg7[%dma_wait3A_148, %dma_wait3A_149] : memref<512x128xf32, #tpu.memory_space<vmem>> -> memref<128x128xf32, #tpu.memory_space<vmem>>
    tpu.wait_dma2 semaphore(%arg9 : memref<!tpu.dma_semaphore, #tpu.memory_space<semaphore_mem>>) src(%dma_wait3A_150 : memref<128x128xf32, #tpu.memory_space<vmem>>) dst(%dma_wait3A_147 : memref<128x128xf32, #tpu.memory_space<hbm>>)
    %dma_wait3A_151 = arith.constant 256 : i32
    %dma_wait3A_152 = arith.constant 0 : i32
    %dma_wait3A_153 = tpu.memref_slice %arg7[%dma_wait3A_151, %dma_wait3A_152] : memref<512x128xf32, #tpu.memory_space<vmem>> -> memref<128x128xf32, #tpu.memory_space<vmem>>
    %dma_wait3A_154 = arith.constant 0 : i32
    %dma_wait3A_155 = tpu.memref_slice %arg4[%add3A_98, %dma_wait3A_154] : memref<16384x128xf32, #tpu.memory_space<hbm>> -> memref<128x128xf32, #tpu.memory_space<hbm>>
    %dma_wait3A_156 = arith.constant 0 : i32
    %dma_wait3A_157 = tpu.memref_slice %arg4[%add3A_98, %dma_wait3A_156] : memref<16384x128xf32, #tpu.memory_space<hbm>> -> memref<128x128xf32, #tpu.memory_space<hbm>>
    %dma_wait3A_158 = arith.constant 256 : i32
    %dma_wait3A_159 = arith.constant 0 : i32
    %dma_wait3A_160 = tpu.memref_slice %arg7[%dma_wait3A_158, %dma_wait3A_159] : memref<512x128xf32, #tpu.memory_space<vmem>> -> memref<128x128xf32, #tpu.memory_space<vmem>>
    tpu.wait_dma2 semaphore(%arg9 : memref<!tpu.dma_semaphore, #tpu.memory_space<semaphore_mem>>) src(%dma_wait3A_160 : memref<128x128xf32, #tpu.memory_space<vmem>>) dst(%dma_wait3A_157 : memref<128x128xf32, #tpu.memory_space<hbm>>)
    %dma_wait3A_161 = arith.constant 384 : i32
    %dma_wait3A_162 = arith.constant 0 : i32
    %dma_wait3A_163 = tpu.memref_slice %arg7[%dma_wait3A_161, %dma_wait3A_162] : memref<512x128xf32, #tpu.memory_space<vmem>> -> memref<128x128xf32, #tpu.memory_space<vmem>>
    %dma_wait3A_164 = arith.constant 0 : i32
    %dma_wait3A_165 = tpu.memref_slice %arg4[%add3A_120, %dma_wait3A_164] : memref<16384x128xf32, #tpu.memory_space<hbm>> -> memref<128x128xf32, #tpu.memory_space<hbm>>
    %dma_wait3A_166 = arith.constant 0 : i32
    %dma_wait3A_167 = tpu.memref_slice %arg4[%add3A_120, %dma_wait3A_166] : memref<16384x128xf32, #tpu.memory_space<hbm>> -> memref<128x128xf32, #tpu.memory_space<hbm>>
    %dma_wait3A_168 = arith.constant 384 : i32
    %dma_wait3A_169 = arith.constant 0 : i32
    %dma_wait3A_170 = tpu.memref_slice %arg7[%dma_wait3A_168, %dma_wait3A_169] : memref<512x128xf32, #tpu.memory_space<vmem>> -> memref<128x128xf32, #tpu.memory_space<vmem>>
    tpu.wait_dma2 semaphore(%arg9 : memref<!tpu.dma_semaphore, #tpu.memory_space<semaphore_mem>>) src(%dma_wait3A_170 : memref<128x128xf32, #tpu.memory_space<vmem>>) dst(%dma_wait3A_167 : memref<128x128xf32, #tpu.memory_space<hbm>>)
    return
  }
}

</mosaic_0001>

<sc_bundles>
// kernel: kernel.3.cloned.1.call-start
scs
__scs_entry_jumppad:
0x0: {  	(pc) =	sbr.rel $0x88, $3  }
0x1: {  	(tag) =	ssettag $0x0;
	lr =	simm.s32 $0x1  }
0x2: {  	[smem:$0x3F9F] =	sst lr;
	_ =	strace $0xD0000000  }
0x3: {  	_ = 	snop  }
0x4: {  	_ = 	snop  }
0x5: {  	_ = 	snop  }
0x6: {  	_ = 	snop  }
0x7: {  	_ = 	snop  }
__scs_overlays_trampoline_lowered:
0x8: {  	[smem:$0x3FAE] =	sst s0  }
0x9: {  	[smem:$0x3FAF] =	sst s1  }
0xa: {  	[smem:$0x3FB0] =	sst s2  }
0xb: {  	[smem:$0x3FB1] =	sst s3  }
0xc: {  	[smem:$0x3FB2] =	sst s4  }
0xd: {  	[smem:$0x3FB3] =	sst s5  }
0xe: {  	[smem:$0x3FB4] =	sst s6  }
0xf: {  	[smem:$0x3FB5] =	sst s7  }
0x10: {  	[smem:$0x3FB6] =	sst s8  }
0x11: {  	[smem:$0x3FB7] =	sst s9;
	s0 =	simm.s32 @!p0 $0x0  }
0x12: {  	s1 =	sld [smem:$0x3F9D];
	s0 =	simm.s32 @p0 $0x1  }
0x13: {  	[smem:$0x3FB8] =	sst s0;
	s0 =	simm.s32 @!p1 $0x0  }
0x14: {  	s2 =	sld [smem:$0x3F9C];
	s0 =	simm.s32 @p1 $0x1  }
0x15: {  	[smem:$0x3FB9] =	sst s0;
	s0 =	simm.s32 @!p2 $0x0  }
0x16: {  	s3 =	sld [smem:$0x3FDB];
	s0 =	simm.s32 @p2 $0x1  }
0x17: {  	s4 =	simm.s32 $0x1BF5;
	[smem:$0x3FBB] =	sst s0  }
0x18: {  	s0 =	sld [smem:$0x3F9E];
	_ =	swait.ge [sflag:s4], $0x0  }
0x19: {  	s7 =	sld [smem:$0x3F9F]  }
0x1a: {  	s8 =	sadd.s32 $0xFFFFE003, lr  }
0x1b: {  	s9 =	sadd.s32 $0xFFFFFEF7, lr;
	s5 =	simm.s32 $0xFFFFFFFF;
	p2 =	slt.u32 s8, $0xFFFFF086  }
0x1c: {  	p1 =	slt.u32 s9, $0xF7A;
	s5 =	simm.s32 @!p2 $0x0  }
0x1d: {  	s5 =	simm.s32 @p1 $0x1;
	p0 =	seq.s32 s7, s2  }
0x1e: {  	s7 =	smul.u32 @!p0 $0xF7A, s2;
	p2 =	seq.s32 @!p0 s5, $0x0  }
0x1f: {  	s9 =	smul.u32 $0xF7A, s1;
	s8 =	simm.s32 @!p0 $0x1BF5;
	p2 =	por !p2, p0  }
0x20: {  	[sflag:s8] =	ssyncset.s32 @!p0 $0xFFFFF086;
	s6 =	sadd.s32 @!p0 s3, s7;
	s7 =	simm.s32 @!p0 $0x108  }
0x21: {  	s3 =	sadd.s32 s3, s9;
	s6 =	sadd.s32 @!p0 $0x88, s6;
	s7 =	simm.s32 @p2 $0x1082  }
0x22: {  	[simem:s7], [sflag:s8] =	dma.local @!p0 [hbm:s6], $0xF7A  }
0x23: {  	s9 =	sor.u32 $0xD0000000, s2;
	s6 =	simm.s32 $0x108;
	_ =	swait.ge @!p0 [sflag:s8], $0x0  }
0x24: {  	s3 =	sadd.s32 $0x88, s3;
	s6 =	simm.s32 @!p1 $0x1082;
	[sflag:s4] =	ssyncset.s32 $0xFFFFF086  }
0x25: {  	[simem:s6], [sflag:s4] =	dma.local [hbm:s3], $0xF7A  }
0x26: {  	[smem:$0x3F9F] =	sst s1;
	(tag) =	ssettag s2;
	_ =	strace s9  }
0x27: {  	s1 =	sld [smem:$0x3FAF]  }
0x28: {  	s2 =	sld [smem:$0x3FB0]  }
0x29: {  	s4 =	sld [smem:$0x3FB2]  }
0x2a: {  	p0 =	seq.s32 s5, $0x0;
	s5 =	sld [smem:$0x3FB3]  }
0x2b: {  	s6 =	sld [smem:$0x3FB4]  }
0x2c: {  	s7 =	sld [smem:$0x3FB5]  }
0x2d: {  	s3 =	simm.s32 $0x108;
	s8 =	sld [smem:$0x3FB6]  }
0x2e: {  	s3 =	simm.s32 @!p0 $0x1082;
	s9 =	sld [smem:$0x3FB7]  }
0x2f: {  	lr =	sadd.s32 s0, s3;
	s0 =	sld [smem:$0x3FAE]  }
0x30: {  	s3 =	sld [smem:$0x3FB1]  }
0x31: {  	[smem:$0x3FBA] =	sst s10  }
0x32: {  	s10 =	sld [smem:$0x3FB8];
	_ =	sdelay $0x3  }
0x33: {  	p0 =	seq.s32 s10, $0x1;
	s10 =	sld [smem:$0x3FBA];
	_ =	sdelay $0x3  }
0x34: {  	[smem:$0x3FBA] =	sst s10  }
0x35: {  	s10 =	sld [smem:$0x3FB9];
	_ =	sdelay $0x3  }
0x36: {  	p1 =	seq.s32 s10, $0x1;
	s10 =	sld [smem:$0x3FBA];
	_ =	sdelay $0x3  }
0x37: {  	[smem:$0x3FBA] =	sst s10  }
0x38: {  	s10 =	sld [smem:$0x3FBB]  }
0x39: {  	_ = 	snop;
	(pc) =	sbr.ind lr, $3  }
0x3a: {  	_ = 	snop  }
0x3b: {  	_ = 	snop  }
0x3c: {  	p2 =	seq.s32 s10, $0x1;
	s10 =	sld [smem:$0x3FBA]  }
0x3d: {  	_ =	shalt  }
0x3e: {  	_ =	shalt  }
0x3f: {  	_ =	shalt  }
0x40: {  	_ =	shalt  }
0x41: {  	_ =	shalt  }
0x42: {  	_ =	shalt  }
0x43: {  	_ =	shalt  }
0x44: {  	_ =	shalt  }
0x45: {  	_ =	shalt  }
0x46: {  	_ =	shalt  }
0x47: {  	_ =	shalt  }
0x48: {  	_ =	shalt  }
0x49: {  	_ =	shalt  }
0x4a: {  	_ =	shalt  }
0x4b: {  	_ =	shalt  }
0x4c: {  	_ =	shalt  }
0x4d: {  	_ =	shalt  }
0x4e: {  	_ =	shalt  }
0x4f: {  	_ =	shalt  }
0x50: {  	_ =	shalt  }
0x51: {  	_ =	shalt  }
0x52: {  	_ =	shalt  }
0x53: {  	_ =	shalt  }
0x54: {  	_ =	shalt  }
0x55: {  	_ =	shalt  }
0x56: {  	_ =	shalt  }
0x57: {  	_ =	shalt  }
0x58: {  	_ =	shalt  }
0x59: {  	_ =	shalt  }
0x5a: {  	_ =	shalt  }
0x5b: {  	_ =	shalt  }
0x5c: {  	_ =	shalt  }
0x5d: {  	_ =	shalt  }
0x5e: {  	_ =	shalt  }
0x5f: {  	_ =	shalt  }
0x60: {  	_ =	shalt  }
0x61: {  	_ =	shalt  }
0x62: {  	_ =	shalt  }
0x63: {  	_ =	shalt  }
0x64: {  	_ =	shalt  }
0x65: {  	_ =	shalt  }
0x66: {  	_ =	shalt  }
0x67: {  	_ =	shalt  }
0x68: {  	_ =	shalt  }
0x69: {  	_ =	shalt  }
0x6a: {  	_ =	shalt  }
0x6b: {  	_ =	shalt  }
0x6c: {  	_ =	shalt  }
0x6d: {  	_ =	shalt  }
0x6e: {  	_ =	shalt  }
0x6f: {  	_ =	shalt  }
0x70: {  	_ =	shalt  }
0x71: {  	_ =	shalt  }
0x72: {  	_ =	shalt  }
0x73: {  	_ =	shalt  }
0x74: {  	_ =	shalt  }
0x75: {  	_ =	shalt  }
0x76: {  	_ =	shalt  }
0x77: {  	_ =	shalt  }
0x78: {  	_ =	shalt  }
0x79: {  	_ =	shalt  }
0x7a: {  	_ =	shalt  }
0x7b: {  	_ =	shalt  }
0x7c: {  	_ =	shalt  }
0x7d: {  	_ =	shalt  }
0x7e: {  	_ =	shalt  }
0x7f: {  	_ =	shalt  }
0x80: {  	_ =	shalt  }
0x81: {  	_ =	shalt  }
0x82: {  	_ =	shalt  }
0x83: {  	_ =	shalt  }
0x84: {  	_ =	shalt  }
0x85: {  	_ =	shalt  }
0x86: {  	_ =	shalt  }
0x87: {  	_ =	shalt  }
.Lfunc_end0:
.L_simem_size_0:
called_computation_lowered:
.L_overlay_start_0:
0x88: {  	s2 =	sld [smem:$0x3FD9]  }
0x89: {  	s3 =	sld [smem:$0x3FFE];
	_ =	sdelay $0x1  }
0x8a: {  	s1 =	srdreg.scid  }
0x8b: {  	s0 =	sand.u32 $0x1, s1  }
0x8c: {  	s18 =	sshll.u32 s0, $0xA;
	s2 =	sadd.s32 s3, s2  }
0x8d: {  	s2 =	sadd.s32 s2, s18  }
0x8e: {  	[smem:$0x3FC6] =	sst s2  }
0x8f: {  	_ = 	snop  }
0x90: {  	s2 =	sld [smem:$0x3FC9]  }
0x91: {  	s19 =	sld [smem:$0x3FC8]  }
0x92: {  	s4 =	sld [smem:$0x3FD0];
	(tm) =	ssettm $0x1  }
0x93: {  	s5 =	sld [smem:$0x3FFB];
	_ =	sdelay $0x3  }
0x94: {  	_ =	strace s5  }
0x95: {  	s5 =	sld [smem:$0x3FFC];
	_ =	sdelay $0x3  }
0x96: {  	_ =	strace s5  }
0x97: {  	s5 =	sld [smem:$0x3FFD];
	_ =	sdelay $0x3  }
0x98: {  	_ =	strace s5  }
0x99: {  	_ =	strace $0x8FFFFFFF  }
0x9a: {  	s20 =	sld [smem:$0x3FDB];
	_ =	sdelay $0x1  }
0x9b: {  	s6 =	simm.s32 $_scs_section_size  }
0x9c: {  	s7 =	simm.s32 $_size__tile_overlayer_lowered;
	s8 =	simm.s32 $_tile_overlayer_lowered  }
0x9d: {  	s23 =	simm.s32 $0x1BFF;
	s22 =	sshll.u32 s8, $0x1;
	s5 =	sadd.s32 s6, s20  }
0x9e: {  	s9 =	simm.s32 $0x0;
	s21 =	sshll.u32 s7, $0x1;
	s7 =	sadd.s32 s22, s5  }
0x9f: {  	[timem:s9], [sflag:s23] =	dma.local [hbm:s7], s21  }
0xa0: {  	_ =	swait.ge [sflag:s23], s21  }
0xa1: {  	s6 =	ssub.s32 $0x0, s21;
	[sflag:s23] =	ssyncset.done $0x0  }
0xa2: {  	[sflag:s23] =	ssyncadd.s32 s6;
	_ =	sdelay $0x1  }
0xa3: {  	s24 =	simm.s32 $0x1B8B  }
0xa4: {  	_ =	swait.ge [sflag:s24], $0x1  }
0xa5: {  	[sflag:s24] =	ssyncset.done $0x0  }
0xa6: {  	s25 =	simm.s32 $0x1B8E;
	[sflag:s24] =	ssyncadd.s32 $0xFFFFFFFF  }
0xa7: {  	s26 =	simm.s32 $execute0_lowered;
	[smem:$0x3FD2] =	sst s25  }
0xa8: {  	s6 =	sshll.u32 s26, $0x1;
	_ =	strace $0x80000046;
	[dreg:$0x1] =	wrdreg $0xFFFFFFFF  }
0xa9: {  	s28 =	simm.s32 $_size_execute0_lowered;
	s5 =	sadd.s32 s5, s6;
	[dreg:$0x0] =	wrdreg $0x0  }
0xaa: {  	s6 =	sshll.u32 s28, $0x1;
	[dreg:$0x2] =	wrdreg s5  }
0xab: {  	[dreg:$0x3] =	wrdreg s6  }
0xac: {  	[dreg:$0x4] =	wrdreg $0xC0  }
0xad: {  	_ =	task [dreg:s9], $0x5FFFF  }
0xae: {  	[dreg:$0x1] =	wrdreg $0xFFFFFFFF  }
0xaf: {  	[dreg:$0x0] =	wrdreg $0x60  }
0xb0: {  	[dreg:$0x2] =	wrdreg s2  }
0xb1: {  	[dreg:$0x3] =	wrdreg s19  }
0xb2: {  	[dreg:$0x4] =	wrdreg s4  }
0xb3: {  	[dreg:$0x5] =	wrdreg $0x0  }
0xb4: {  	[dreg:$0x6] =	wrdreg $0x9  }
0xb5: {  	_ =	task.clear_ibuf [dreg:s9], $0x7FFFF;
	_ =	strace $0x90000046  }
0xb6: {  	s29 =	simm.s32 $0x9;
	_ =	strace $0x80000048  }
0xb7: {  	_ =	swait.ge [sflag:s29], $0x1  }
0xb8: {  	[sflag:s29] =	ssyncadd.s32 $0xFFFFFFFF  }
0xb9: {  	_ =	strace $0x90000048  }
0xba: {  	_ =	sfence  }
0xbb: {  	s30 =	sld [smem:$0x0];
	_ =	sdelay $0x2  }
0xbc: {  	s31 =	sshll.u32 s1, $0xD;
	s1 =	sshrl.u32 s1, $0x2  }
0xbd: {  	s3 =	sand.u32 $0x4000, s31;
	s1 =	sadd.s32 s1, s30  }
0xbe: {  	s0 =	sor.u32 s3, s0;
	s1 =	sshll.u32 s1, $0x11  }
0xbf: {  	s0 =	sor.u32 s1, s0  }
0xc0: {  	s0 =	sadd.s32 $0x8F2B, s0  }
0xc1: {  	[sflag:s0] =	ssyncadd.remote.s32 $0x1  }
0xc2: {  	_ =	sfence.sel $0xFFFF  }
0xc3: {  	[dreg:$0x0] =	wrdreg $0xFFFFFFFF;
	(pc) =	sbr.abs _section_cstart, $3  }
0xc4: {  	[dreg:$0x1] =	wrdreg $0xFFFFFFFF  }
0xc5: {  	_ =	task.clear_ibuf [dreg:s9], $0x2FFFF;
	_ =	strace $0x9FFFFFFF  }
0xc6: {  	(tm) =	ssettm $0x7FFFFFFF  }
0xc7: {  	_ =	shalt  }
tec
execute0_lowered:
.L_overlay_start_1:
0x0: {  	(tag) =	ssettag $0x1  }
0x1: {  	s3 =	rddreg [dreg:$0x0]  }
0x2: {  	s6 =	rddreg [dreg:$0x1]  }
0x3: {  	s4 =	rddreg [dreg:$0x2]  }
0x4: {  	s2 =	rddreg [dreg:$0x3]  }
0x5: {  	s0 =	rddreg [dreg:$0x4];
	s5 =	srdreg.scid;
	s1 =	simm.s32 $0x0  }
0x6: {  	s9 =	stileid.u32;
	s16 =	simm.s32 $0x40;
	s5 =	sand.u32 $0x1, s5  }
0x7: {  	s17 =	simm.s32 $0x3;
	s8 =	sshll.u32 s5, $0x9;
	s5 =	ssub.s32 $0x2, s5  }
0x8: {  	s15 =	simm.s32 $0x80;
	s13 =	simm.s32 $0x240;
	s31 =	sshrl.u32 s5, $0x1  }
0x9: {  	s18 =	simm.s32 $0xC0;
	s11 =	simm.s32 $0x4240;
	s5 =	ssub.s32 s5, s31  }
0xa: {  	s19 =	simm.s32 $0x140;
	s20 =	simm.s32 $0x1C0;
	s5 =	smax.u32 s5, $0x1  }
0xb: {  	s12 =	simm.s32 $0x1;
	p1 =	por $0x0, $0x0;
	s24 =	sadd.s32 $0xFFFFFFFF, s5  }
0xc: {  	[smem:$0x7FF] =	sst s1;
	s7 =	sshll.u32 s9, $0xA;
	p2 =	sne.s32 s24, $0x0  }
.Ltmp0:
0xd: {  	p0 =	sne.s32 s9, $0x0;
	s7 =	sor.u32 s8, s7;
	(pc) =	sbr.rel @!p2 .LBB2_3-.Ltmp0, $4  }
0xe: {  	s9 =	simm.s32 $0xC240;
	s10 =	sshrl.u32 s7, $0x3;
	s7 =	sshll.u32 s7, $0x4  }
0xf: {  	_ =	strace $0x80000047;
	s21 =	sshrl.u32 @!p0 s2, $0x3;
	s8 =	sadd.s32 s4, s7  }
0x10: {  	s14 =	sadd.s32 s3, s10;
	s10 =	simm.s32 $0x8240;
	s7 =	sadd.s32 $0x800, s8  }
0x11: {  	s4 =	sadd.s32 $0x1000, s8;
	s3 =	sadd.s32 $0x1800, s8;
	s5 =	simm.s32 $0x2  }
0x12: {  	s22 =	simm.s32 @!p0 $0x1C03;
	s23 =	simm.s32 @!p0 $0x3  }
0x13: {  	[spmem:s21], [sflag:s22] =	dma.local @!p0 [hbm:s6], $0x80  }
0x14: {  	_ =	swait.ge @!p0 [sflag:s23], $0x80  }
0x15: {  	[sflag:s23] =	ssyncset.done @!p0 $0x0  }
0x16: {  	[sflag:s23] =	ssyncadd.s32 @!p0 $0xFFFFFF80  }
0x17: {  	[tilespmem:s16], [sflag:$0x3] =	stream.linear.gather [hbm4b:s14+s1], $0x200, $0x38;
	[tilespmem:$0x10240] =	vst v63  }
0x18: {  	_ =	swait.ge [sflag:s17], $0x200  }
0x19: {  	[sflag:s17] =	ssyncset.done $0x0  }
0x1a: {  	[sflag:s17] =	ssyncadd.s32 $0xFFFFFE00  }
0x1b: {  	[bflag:$0x0] =	sbarrier.arrive $0xFFFF  }
0x1c: {  	[tilespmem:s13], [sflag:$0x1] =	stream.indirect.gather [spmem:s2], $0x80, s16, s15, $0xb8;
	[tilespmem:$0x10240] =	vst v63  }
0x1d: {  	_ = 	snop  }
0x1e: {  	[tilespmem:s11], [sflag:$0x1] =	stream.indirect.gather [spmem:s2], $0x80, s18, s15, $0xb8;
	[tilespmem:$0x10240] =	vst v63  }
0x1f: {  	_ = 	snop  }
0x20: {  	[tilespmem:s10], [sflag:$0x1] =	stream.indirect.gather [spmem:s2], $0x80, s19, s15, $0xb8;
	[tilespmem:$0x10240] =	vst v63  }
0x21: {  	_ = 	snop  }
0x22: {  	[tilespmem:s9], [sflag:$0x1] =	stream.indirect.gather [spmem:s2], $0x80, s20, s15, $0xb8;
	[tilespmem:$0x10240] =	vst v63  }
0x23: {  	_ =	swait.ge [sflag:s12], $0x4000  }
0x24: {  	[sflag:s12] =	ssyncset.done $0x0  }
0x25: {  	[sflag:s12] =	ssyncadd.s32 $0xFFFFC000  }
0x26: {  	[hbm4b:s8+s1] =	stream.linear.scatter [tilespmem:s13], [sflag:$0x2], $0x4000, $0x38;
	[tilespmem:$0x10240] =	vst v63  }
0x27: {  	_ =	swait.ge [sflag:s12], $0x4000  }
0x28: {  	[sflag:s12] =	ssyncset.done $0x0  }
0x29: {  	[sflag:s12] =	ssyncadd.s32 $0xFFFFC000  }
0x2a: {  	[hbm4b:s7+s1] =	stream.linear.scatter [tilespmem:s11], [sflag:$0x2], $0x4000, $0x38;
	[tilespmem:$0x10240] =	vst v63  }
0x2b: {  	_ =	swait.ge [sflag:s12], $0x4000  }
0x2c: {  	[sflag:s12] =	ssyncset.done $0x0  }
0x2d: {  	[sflag:s12] =	ssyncadd.s32 $0xFFFFC000  }
0x2e: {  	[hbm4b:s4+s1] =	stream.linear.scatter [tilespmem:s10], [sflag:$0x2], $0x4000, $0x38;
	[tilespmem:$0x10240] =	vst v63  }
0x2f: {  	_ =	swait.ge [sflag:s12], $0x4000  }
0x30: {  	[sflag:s12] =	ssyncset.done $0x0  }
0x31: {  	[sflag:s12] =	ssyncadd.s32 $0xFFFFC000  }
0x32: {  	[hbm4b:s3+s1] =	stream.linear.scatter [tilespmem:s9], [sflag:$0x2], $0x4000, $0x38;
	[tilespmem:$0x10240] =	vst v63  }
0x33: {  	_ =	swait.ge [sflag:s5], $0x4000  }
0x34: {  	[sflag:s5] =	ssyncset.done $0x0  }
0x35: {  	[sflag:s5] =	ssyncadd.s32 $0xFFFFC000  }
0x36: {  	_ =	swait.ge [sflag:s5], $0x4000  }
0x37: {  	s24 =	sadd.s32 $0xFFFFFFFF, s24;
	[sflag:s5] =	ssyncset.done $0x0  }
0x38: {  	p2 =	sne.s32 s24, $0x0;
	[sflag:s5] =	ssyncadd.s32 $0xFFFFC000  }
.Ltmp1:
0x39: {  	_ =	swait.ge [sflag:s5], $0x4000;
	(pc) =	sbr.rel @!p2 .LBB2_3-.Ltmp1, $4  }
0x3a: {  	[sflag:s5] =	ssyncset.done $0x0  }
0x3b: {  	[sflag:s5] =	ssyncadd.s32 $0xFFFFC000  }
0x3c: {  	_ =	swait.ge [sflag:s5], $0x4000  }
0x3d: {  	p1 =	por $0x1, $0x1;
	[sflag:s5] =	ssyncset.done $0x0  }
.LBB2_2:
0x3e: {  	[sflag:s5] =	ssyncadd.s32 $0xFFFFC000  }
0x3f: {  	[spmem:s21], [sflag:s22] =	dma.local @!p0 [hbm:s6], $0x80  }
0x40: {  	s24 =	sadd.s32 $0xFFFFFFFF, s24;
	_ =	swait.ge @!p0 [sflag:s23], $0x80  }
0x41: {  	p2 =	sne.s32 s24, $0x0;
	[sflag:s23] =	ssyncset.done @!p0 $0x0  }
0x42: {  	[sflag:s23] =	ssyncadd.s32 @!p0 $0xFFFFFF80  }
0x43: {  	[tilespmem:s16], [sflag:$0x3] =	stream.linear.gather [hbm4b:s14+s1], $0x200, $0x38;
	[tilespmem:$0x10240] =	vst v63  }
0x44: {  	_ =	swait.ge [sflag:s17], $0x200  }
0x45: {  	[sflag:s17] =	ssyncset.done $0x0  }
0x46: {  	[sflag:s17] =	ssyncadd.s32 $0xFFFFFE00  }
0x47: {  	[bflag:$0x0] =	sbarrier.arrive $0xFFFF  }
0x48: {  	[tilespmem:s13], [sflag:$0x1] =	stream.indirect.gather [spmem:s2], $0x80, s16, s15, $0xb8;
	[tilespmem:$0x10240] =	vst v63  }
0x49: {  	_ = 	snop  }
0x4a: {  	[tilespmem:s11], [sflag:$0x1] =	stream.indirect.gather [spmem:s2], $0x80, s18, s15, $0xb8;
	[tilespmem:$0x10240] =	vst v63  }
0x4b: {  	_ = 	snop  }
0x4c: {  	[tilespmem:s10], [sflag:$0x1] =	stream.indirect.gather [spmem:s2], $0x80, s19, s15, $0xb8;
	[tilespmem:$0x10240] =	vst v63  }
0x4d: {  	_ = 	snop  }
0x4e: {  	[tilespmem:s9], [sflag:$0x1] =	stream.indirect.gather [spmem:s2], $0x80, s20, s15, $0xb8;
	[tilespmem:$0x10240] =	vst v63  }
0x4f: {  	_ =	swait.ge [sflag:s12], $0x4000  }
0x50: {  	[sflag:s12] =	ssyncset.done $0x0  }
0x51: {  	[sflag:s12] =	ssyncadd.s32 $0xFFFFC000  }
0x52: {  	[hbm4b:s8+s1] =	stream.linear.scatter [tilespmem:s13], [sflag:$0x2], $0x4000, $0x38;
	[tilespmem:$0x10240] =	vst v63  }
0x53: {  	_ =	swait.ge [sflag:s12], $0x4000  }
0x54: {  	[sflag:s12] =	ssyncset.done $0x0  }
0x55: {  	[sflag:s12] =	ssyncadd.s32 $0xFFFFC000  }
0x56: {  	[hbm4b:s7+s1] =	stream.linear.scatter [tilespmem:s11], [sflag:$0x2], $0x4000, $0x38;
	[tilespmem:$0x10240] =	vst v63  }
0x57: {  	_ =	swait.ge [sflag:s12], $0x4000  }
0x58: {  	[sflag:s12] =	ssyncset.done $0x0  }
0x59: {  	[sflag:s12] =	ssyncadd.s32 $0xFFFFC000  }
0x5a: {  	[hbm4b:s4+s1] =	stream.linear.scatter [tilespmem:s10], [sflag:$0x2], $0x4000, $0x38;
	[tilespmem:$0x10240] =	vst v63  }
0x5b: {  	_ =	swait.ge [sflag:s12], $0x4000  }
0x5c: {  	[sflag:s12] =	ssyncset.done $0x0  }
0x5d: {  	[sflag:s12] =	ssyncadd.s32 $0xFFFFC000  }
0x5e: {  	[hbm4b:s3+s1] =	stream.linear.scatter [tilespmem:s9], [sflag:$0x2], $0x4000, $0x38;
	[tilespmem:$0x10240] =	vst v63  }
0x5f: {  	_ =	swait.ge [sflag:s5], $0x4000  }
0x60: {  	[sflag:s5] =	ssyncset.done $0x0  }
0x61: {  	[sflag:s5] =	ssyncadd.s32 $0xFFFFC000  }
0x62: {  	_ =	swait.ge [sflag:s5], $0x4000  }
0x63: {  	[sflag:s5] =	ssyncset.done $0x0  }
0x64: {  	[sflag:s5] =	ssyncadd.s32 $0xFFFFC000  }
.Ltmp2:
0x65: {  	_ =	swait.ge [sflag:s5], $0x4000;
	(pc) =	sbr.rel @p2 .LBB2_2-.Ltmp2, $4  }
0x66: {  	[sflag:s5] =	ssyncset.done $0x0  }
0x67: {  	[sflag:s5] =	ssyncadd.s32 $0xFFFFC000  }
0x68: {  	_ =	swait.ge [sflag:s5], $0x4000  }
0x69: {  	[sflag:s5] =	ssyncset.done $0x0  }
.LBB2_3:
0x6a: {  	s22 =	simm.s32 @!p0 $0x1C03;
	s23 =	simm.s32 @!p0 $0x3;
	[sflag:s5] =	ssyncadd.s32 @p1 $0xFFFFC000  }
0x6b: {  	[spmem:s21], [sflag:s22] =	dma.local @!p0 [hbm:s6], $0x80  }
0x6c: {  	_ =	swait.ge @!p0 [sflag:s23], $0x80  }
0x6d: {  	[sflag:s23] =	ssyncset.done @!p0 $0x0  }
0x6e: {  	[sflag:s23] =	ssyncadd.s32 @!p0 $0xFFFFFF80  }
0x6f: {  	[tilespmem:s16], [sflag:$0x3] =	stream.linear.gather [hbm4b:s14+s1], $0x200, $0x38;
	[tilespmem:$0x10240] =	vst v63  }
0x70: {  	_ =	swait.ge [sflag:s17], $0x200  }
0x71: {  	[sflag:s17] =	ssyncset.done $0x0  }
0x72: {  	[sflag:s17] =	ssyncadd.s32 $0xFFFFFE00  }
0x73: {  	[bflag:$0x0] =	sbarrier.arrive $0xFFFF  }
0x74: {  	[tilespmem:s13], [sflag:$0x1] =	stream.indirect.gather [spmem:s2], $0x80, s16, s15, $0xb8;
	[tilespmem:$0x10240] =	vst v63  }
0x75: {  	_ = 	snop  }
0x76: {  	[tilespmem:s11], [sflag:$0x1] =	stream.indirect.gather [spmem:s2], $0x80, s18, s15, $0xb8;
	[tilespmem:$0x10240] =	vst v63  }
0x77: {  	_ = 	snop  }
0x78: {  	[tilespmem:s10], [sflag:$0x1] =	stream.indirect.gather [spmem:s2], $0x80, s19, s15, $0xb8;
	[tilespmem:$0x10240] =	vst v63  }
0x79: {  	_ = 	snop  }
0x7a: {  	[tilespmem:s9], [sflag:$0x1] =	stream.indirect.gather [spmem:s2], $0x80, s20, s15, $0xb8;
	[tilespmem:$0x10240] =	vst v63  }
0x7b: {  	_ =	swait.ge [sflag:s12], $0x4000  }
0x7c: {  	[sflag:s12] =	ssyncset.done $0x0  }
0x7d: {  	[sflag:s12] =	ssyncadd.s32 $0xFFFFC000  }
0x7e: {  	[hbm4b:s8+s1] =	stream.linear.scatter [tilespmem:s13], [sflag:$0x2], $0x4000, $0x38;
	[tilespmem:$0x10240] =	vst v63  }
0x7f: {  	_ =	swait.ge [sflag:s12], $0x4000  }
0x80: {  	[sflag:s12] =	ssyncset.done $0x0  }
0x81: {  	[sflag:s12] =	ssyncadd.s32 $0xFFFFC000  }
0x82: {  	[hbm4b:s7+s1] =	stream.linear.scatter [tilespmem:s11], [sflag:$0x2], $0x4000, $0x38;
	[tilespmem:$0x10240] =	vst v63  }
0x83: {  	_ =	swait.ge [sflag:s12], $0x4000  }
0x84: {  	[sflag:s12] =	ssyncset.done $0x0  }
0x85: {  	[sflag:s12] =	ssyncadd.s32 $0xFFFFC000  }
0x86: {  	[hbm4b:s4+s1] =	stream.linear.scatter [tilespmem:s10], [sflag:$0x2], $0x4000, $0x38;
	[tilespmem:$0x10240] =	vst v63  }
0x87: {  	_ =	swait.ge [sflag:s12], $0x4000  }
0x88: {  	[sflag:s12] =	ssyncset.done $0x0  }
0x89: {  	[sflag:s12] =	ssyncadd.s32 $0xFFFFC000  }
0x8a: {  	[hbm4b:s3+s1] =	stream.linear.scatter [tilespmem:s9], [sflag:$0x2], $0x4000, $0x38;
	[tilespmem:$0x10240] =	vst v63  }
0x8b: {  	_ =	swait.ge [sflag:s5], $0x4000  }
0x8c: {  	[sflag:s5] =	ssyncset.done $0x0  }
0x8d: {  	[sflag:s5] =	ssyncadd.s32 $0xFFFFC000  }
0x8e: {  	_ =	swait.ge [sflag:s5], $0x4000  }
0x8f: {  	[sflag:s5] =	ssyncset.done $0x0  }
0x90: {  	[sflag:s5] =	ssyncadd.s32 $0xFFFFC000  }
0x91: {  	_ =	swait.ge [sflag:s5], $0x4000  }
0x92: {  	[sflag:s5] =	ssyncset.done $0x0  }
0x93: {  	[sflag:s5] =	ssyncadd.s32 $0xFFFFC000  }
0x94: {  	_ =	swait.ge [sflag:s5], $0x4000  }
0x95: {  	[sflag:s5] =	ssyncset.done $0x0  }
0x96: {  	[sflag:s5] =	ssyncadd.s32 $0xFFFFC000  }
0x97: {  	_ =	sfence.sel $0x180000  }
0x98: {  	[bflag:$0x0] =	sbarrier.arrive $0xFFFF  }
0x99: {  	_ =	strace $0x90000047  }
0x9a: {  	s0 =	sadd.s32 @!p0 $0x100000, s0;
	[bflag:$0x2] =	sbarrier.arrive $0xFFFF  }
0x9b: {  	[sflag:s0] =	ssyncadd.tile.s32 @!p0 $0x1;
	_ =	shalt  }
.Lfunc_end2:
_tile_overlayer_lowered:
.L_overlay_start_2:
0x9c: {  	(tag) =	ssettag $0x2  }
0x9d: {  	s0 =	rddreg [dreg:$0x0];
	s2 =	stileid.u32  }
0x9e: {  	s1 =	rddreg [dreg:$0x1];
	p0 =	sne.s32 s2, $0x0  }
0x9f: {  	s3 =	rddreg [dreg:$0x2];
	[bflag:$0x3] =	sbarrier.arrive $0xFFFF;
	s2 =	simm.s32 @!p0 $0x1C03  }
0xa0: {  	[timem:s3], [sflag:s2] =	dma.local @!p0 [hbm:s0], s1  }
0xa1: {  	s0 =	simm.s32 @!p0 $0x3  }
0xa2: {  	_ =	swait.ge @!p0 [sflag:s0], s1  }
0xa3: {  	s1 =	ssub.s32 @!p0 $0x0, s1;
	[sflag:s0] =	ssyncset.done @!p0 $0x0  }
0xa4: {  	[sflag:s0] =	ssyncadd.s32 @!p0 s1  }
0xa5: {  	[bflag:$0x3] =	sbarrier.arrive $0xFFFF  }
0xa6: {  	_ =	shalt  }

</sc_bundles>
